<compile_context>
chip_gen: v7x
topology: tpu7x:2x2x1
jax: 0.10.2.dev20260603
libtpu: 0.0.44.dev20260713+nightly
codegen_flags: <defaults>
</compile_context>

<pallas_src>
import functools

import jax
import jax.numpy as jnp
from jax import lax
from jax.experimental import pallas as pl
from jax.experimental.pallas import tpu as pltpu
from jax.experimental.pallas import tpu_sc as plsc

_LANES = 16
_NC = 2
_NS = 16
_BINS = 52
_UNROLL = 8
_NCHUNK = 4


@functools.partial(jax.jit, static_argnums=(0,))
def _histogram_embed(n, cards, tables):
    nw = _NC * _NS
    chunk = n // nw
    csub = chunk // _NCHUNK
    vec_sub = csub // _LANES
    assert n == chunk * nw and csub % (_UNROLL * _LANES) == 0

    mesh = plsc.VectorSubcoreMesh(
        core_axis_name="c", subcore_axis_name="s",
        num_cores=_NC, num_subcores=_NS)

    @functools.partial(
        pl.kernel,
        out_type=jax.ShapeDtypeStruct((nw, _LANES), jnp.float32),
        mesh=mesh,
        compiler_params=pltpu.CompilerParams(needs_layout_passes=False),
        scratch_types=[
            pltpu.VMEM((csub,), jnp.int32),
            pltpu.VMEM((csub,), jnp.int32),
            pltpu.VMEM((_BINS * _LANES,), jnp.float32),
            pltpu.VMEM((128,), jnp.float32),
            pltpu.VMEM((_LANES,), jnp.float32),
            pltpu.SemaphoreType.DMA,
            pltpu.SemaphoreType.DMA,
        ],
    )
    def card_embed(cards_hbm, tf_hbm, out_hbm,
                   buf0, buf1, hist_v, tf_v, acc_v, sem0, sem1):
        cid = lax.axis_index("c")
        sid = lax.axis_index("s")
        wid = sid * _NC + cid
        base = wid * chunk

        pltpu.async_copy(cards_hbm.at[pl.ds(base, csub)], buf0, sem0)
        pltpu.async_copy(cards_hbm.at[pl.ds(base + csub, csub)], buf1, sem1)

        pltpu.sync_copy(tf_hbm, tf_v)
        zeros = jnp.zeros((_LANES,), jnp.float32)

        def zbody(b, carry):
            hist_v[pl.ds(b * _LANES, _LANES)] = zeros
            return carry

        lax.fori_loop(0, _BINS, zbody, 0)

        lanes = lax.broadcasted_iota(jnp.int32, (_LANES,), 0)
        ones = jnp.ones((_LANES,), jnp.float32)
        npair = _NCHUNK // 2

        def pair_body(j, carry):
            for b, (bv, sem) in enumerate(((buf0, sem0), (buf1, sem1))):
                pltpu.make_async_copy(
                    cards_hbm.at[pl.ds(base, csub)], bv, sem).wait()

                @plsc.parallel_loop(0, vec_sub, step=1, unroll=_UNROLL)
                def _hist(i, bv=bv):
                    c = bv[pl.ds(i * _LANES, _LANES)]
                    plsc.addupdate_scatter(hist_v, [c * _LANES + lanes], ones)

                @pl.when(j + 1 < npair)
                def _():
                    nxt = base + (2 * (j + 1) + b) * csub
                    pltpu.async_copy(cards_hbm.at[pl.ds(nxt, csub)], bv, sem)
            return carry

        lax.fori_loop(0, npair, pair_body, 0)

        mask_r = lanes < 8
        mask_s = jnp.logical_and(lanes >= 8, lanes < 12)
        lanes7 = jnp.bitwise_and(lanes, 7)
        lanes3 = jnp.bitwise_and(lanes, 3)

        @plsc.parallel_loop(0, _BINS, step=1, unroll=4, carry=zeros)
        def acc(b, acc_c):
            cnt = jnp.sum(hist_v[pl.ds(b * _LANES, _LANES)])
            r = b % 13
            s = b // 13
            g_r = plsc.load_gather(tf_v, [r * 8 + lanes7])
            g_s = plsc.load_gather(tf_v, [104 + s * 4 + lanes3])
            w = jnp.where(mask_r, g_r, zeros) + jnp.where(mask_s, g_s, zeros)
            return acc_c + cnt * w
        acc_v[...] = acc * jnp.float32(1.0 / n)
        pltpu.sync_copy(acc_v, out_hbm.at[wid])

    return card_embed(cards, tables)


def kernel(cards, rank_embed, suit_embed):
    n = cards.shape[0]
    cards = cards.astype(jnp.int32)
    tables = jnp.concatenate([rank_embed.reshape(-1), suit_embed.reshape(-1),
                              jnp.zeros((8,), jnp.float32)])
    parts = _histogram_embed(n, cards, tables)
    return jnp.sum(parts, axis=0)[:12]

# --- scband reference (transcript-rebuilt; emitter-appended) ---
"""Pipeline reference for scband-card-embedding-57904749084800 (READ-ONLY COPY).

The authoritative reference and input builder live on the scoring server;
editing this copy changes nothing except your own understanding.
"""

import jax, jax.numpy as jnp
import numpy as np

N = 3276800

def setup_inputs(seed: int = 0) -> dict:
    key = jax.random.key(seed)
    k1, k2, k3 = jax.random.split(key, 3)
    cards = jax.random.randint(k1, (N,), 0, 52, dtype=jnp.int64 if jax.config.jax_enable_x64 else jnp.int32)
    rank_embed = jax.random.normal(k2, (13, 8), dtype=jnp.float32)
    suit_embed = jax.random.normal(k3, (4, 4), dtype=jnp.float32)
    return {"cards": cards, "rank_embed": rank_embed, "suit_embed": suit_embed}

def reference(cards, rank_embed, suit_embed):
    # Faithful translation of CardEmbedding.forward intended math:
    # rank = card % 13, suit = card // 13; embed each, mean over the card axis,
    # then concatenate rank-mean (8) and suit-mean (4) -> 12-dim vector.
    ranks = cards % 13
    suits = cards // 13
    r = jnp.take(rank_embed, ranks, axis=0)  # gather [N, 8]
    s = jnp.take(suit_embed, suits, axis=0)  # gather [N, 4]
    r_mean = r.mean(axis=0)
    s_mean = s.mean(axis=0)
    return jnp.concatenate([r_mean, s_mean], axis=0)

if __name__ == "__main__":
    import jax
    _d = setup_inputs()
    print(jax.jit(kernel)(*tuple(_d.values())))

</pallas_src>

<mosaic_0001>
#map = affine_map<(d0, d1) -> (0)>
#map1 = affine_map<(d0, d1) -> (0, 0)>
module attributes {stable_mosaic.version = 14 : i64} {
  func.func @card_embed(%arg0: i32, %arg1: i32, %arg2: memref<3276800xi32, #tpu.memory_space<hbm>>, %arg3: memref<128xf32, #tpu.memory_space<hbm>>, %arg4: memref<32x16xf32, #tpu.memory_space<hbm>>, %arg5: memref<25600xi32, #tpu.memory_space<vmem>>, %arg6: memref<25600xi32, #tpu.memory_space<vmem>>, %arg7: memref<832xf32, #tpu.memory_space<vmem>>, %arg8: memref<128xf32, #tpu.memory_space<vmem>>, %arg9: memref<16xf32, #tpu.memory_space<vmem>>, %arg10: memref<!tpu.dma_semaphore, #tpu.memory_space<semaphore_mem>>, %arg11: memref<!tpu.dma_semaphore, #tpu.memory_space<semaphore_mem>>) attributes {dimension_semantics = [#tpu.dimension_semantics<core_parallel>, #tpu.dimension_semantics<subcore_parallel>], iteration_bounds = array<i64: 2, 16>, scalar_prefetch = 0 : i64, scratch_operands = 7 : i64, tpu.core_type = #tpu.core_type<sc_vector_subcore>, window_params = [{transform_indices = #map}, {transform_indices = #map}, {transform_indices = #map1}]} {
    %mul3A = arith.constant 2 : i32
    %mul3A_0 = arith.muli %arg1, %mul3A : i32
    %add3A = arith.addi %mul3A_0, %arg0 : i32
    %mul3A_1 = arith.constant 102400 : i32
    %mul3A_2 = arith.muli %add3A, %mul3A_1 : i32
    %dma_start3A = tpu.memref_slice %arg2[%mul3A_2] : memref<3276800xi32, #tpu.memory_space<hbm>> -> memref<25600xi32, #tpu.memory_space<hbm>>
    %dma_start3A_3 = tpu.memref_slice %arg2[%mul3A_2] : memref<3276800xi32, #tpu.memory_space<hbm>> -> memref<25600xi32, #tpu.memory_space<hbm>>
    tpu.enqueue_dma source(%dma_start3A_3 : memref<25600xi32, #tpu.memory_space<hbm>>) target(%arg5 : memref<25600xi32, #tpu.memory_space<vmem>>) target_semaphore(%arg10 : memref<!tpu.dma_semaphore, #tpu.memory_space<semaphore_mem>>)
    %add3A_4 = arith.constant 25600 : i32
    %add3A_5 = arith.addi %mul3A_2, %add3A_4 : i32
    %dma_start3A_6 = tpu.memref_slice %arg2[%add3A_5] : memref<3276800xi32, #tpu.memory_space<hbm>> -> memref<25600xi32, #tpu.memory_space<hbm>>
    %dma_start3A_7 = tpu.memref_slice %arg2[%add3A_5] : memref<3276800xi32, #tpu.memory_space<hbm>> -> memref<25600xi32, #tpu.memory_space<hbm>>
    tpu.enqueue_dma source(%dma_start3A_7 : memref<25600xi32, #tpu.memory_space<hbm>>) target(%arg6 : memref<25600xi32, #tpu.memory_space<vmem>>) target_semaphore(%arg11 : memref<!tpu.dma_semaphore, #tpu.memory_space<semaphore_mem>>)
    "tpu.region"() ({
      %run_scoped3A = tpu.sem_alloc : memref<!tpu.dma_semaphore, #tpu.memory_space<semaphore_mem>>
      tpu.enqueue_dma source(%arg3 : memref<128xf32, #tpu.memory_space<hbm>>) target(%arg8 : memref<128xf32, #tpu.memory_space<vmem>>) target_semaphore(%run_scoped3A : memref<!tpu.dma_semaphore, #tpu.memory_space<semaphore_mem>>)
      tpu.wait_dma2 semaphore(%run_scoped3A : memref<!tpu.dma_semaphore, #tpu.memory_space<semaphore_mem>>) src(%arg3 : memref<128xf32, #tpu.memory_space<hbm>>) dst(%arg8 : memref<128xf32, #tpu.memory_space<vmem>>)
      tpu.yield
    }) : () -> ()
    %broadcast_in_dim3A = arith.constant 0.000000e+00 : f32
    %broadcast_in_dim3A_8 = vector.broadcast %broadcast_in_dim3A : f32 to vector<16xf32>
    %scan3A = arith.constant 0 : i32
    %scan3A_9 = arith.constant 0 : i32
    %scan3A_10 = arith.constant 52 : i32
    %scan3A_11 = arith.addi %scan3A_9, %scan3A_10 : i32
    %scan3A_12 = arith.constant 1 : i32
    scf.for %scan3A_42 = %scan3A_9 to %scan3A_11 step %scan3A_12  : i32 {
      %mul3A_43 = arith.constant 16 : i32
      %mul3A_44 = arith.muli %scan3A_42, %mul3A_43 : i32
      %swap3A_45 = arith.index_cast %mul3A_44 : i32 to index
      %swap3A_46 = tpu.vector_load %arg7[%swap3A_45] {strides = array<i32>} : memref<832xf32, #tpu.memory_space<vmem>>, vector<16xf32>,
      tpu.vector_store %arg7[%swap3A_45], %broadcast_in_dim3A_8 {strides = array<i32>} : memref<832xf32, #tpu.memory_space<vmem>>, vector<16xf32>,
    }
    %scan3A_13 = arith.constant 52 : i32
    %iota3A = tpu.iota {dimensions = array<i32: 0>} : vector<16xi32>
    %broadcast_in_dim3A_14 = arith.constant 1.000000e+00 : f32
    %broadcast_in_dim3A_15 = vector.broadcast %broadcast_in_dim3A_14 : f32 to vector<16xf32>
    %scan3A_16 = arith.constant 0 : i32
    %scan3A_17 = arith.constant 0 : i32
    %scan3A_18 = arith.constant 2 : i32
    %scan3A_19 = arith.addi %scan3A_17, %scan3A_18 : i32
    %scan3A_20 = arith.constant 1 : i32
    scf.for %scan3A_42 = %scan3A_17 to %scan3A_19 step %scan3A_20  : i32 {
      %dma_wait3A = tpu.memref_slice %arg2[%mul3A_2] : memref<3276800xi32, #tpu.memory_space<hbm>> -> memref<25600xi32, #tpu.memory_space<hbm>>
      %dma_wait3A_43 = tpu.memref_slice %arg2[%mul3A_2] : memref<3276800xi32, #tpu.memory_space<hbm>> -> memref<25600xi32, #tpu.memory_space<hbm>>
      tpu.wait_dma2 semaphore(%arg10 : memref<!tpu.dma_semaphore, #tpu.memory_space<semaphore_mem>>) src(%dma_wait3A_43 : memref<25600xi32, #tpu.memory_space<hbm>>) dst(%arg5 : memref<25600xi32, #tpu.memory_space<vmem>>)
      %parallel_loop3A_44 = arith.constant 0 : i32
      %parallel_loop3A_45 = arith.constant 1600 : i32
      %parallel_loop3A_46 = arith.constant 1 : i32
      scf.for %parallel_loop3A_64 = %parallel_loop3A_44 to %parallel_loop3A_45 step %parallel_loop3A_46  : i32 {
        %parallel_loop3A_65 = arith.constant 16 : i32
        %parallel_loop3A_66 = arith.muli %parallel_loop3A_64, %parallel_loop3A_65 : i32
        %parallel_loop3A_67 = arith.index_cast %parallel_loop3A_66 : i32 to index
        %parallel_loop3A_68 = tpu.vector_load %arg5[%parallel_loop3A_67] {strides = array<i32>} : memref<25600xi32, #tpu.memory_space<vmem>>, vector<16xi32>,
        %parallel_loop3A_69 = arith.constant 16 : i32
        %parallel_loop3A_70 = vector.broadcast %parallel_loop3A_69 : i32 to vector<16xi32>
        %parallel_loop3A_71 = arith.muli %parallel_loop3A_68, %parallel_loop3A_70 : vector<16xi32>
        %parallel_loop3A_72 = arith.addi %parallel_loop3A_71, %iota3A : vector<16xi32>
        tpu.vector_store_idx %arg7[%parallel_loop3A_72], %broadcast_in_dim3A_15 {add = true} : memref<832xf32, #tpu.memory_space<vmem>>[vector<16xi32>], vector<16xf32>,
      } {sc.loop_unroll_factor = 8 : i64, sc.parallel_access}
      %add3A_47 = arith.constant 1 : i32
      %add3A_48 = arith.addi %scan3A_42, %add3A_47 : i32
      %lt3A_49 = arith.constant 2 : i32
      %lt3A_50 = arith.cmpi slt, %add3A_48, %lt3A_49 : i32
      %convert_element_type3A = arith.extui %lt3A_50 : i1 to i32
      %cond3A = arith.constant 0 : i32
      %cond3A_51 = arith.cmpi ne, %convert_element_type3A, %cond3A : i32
      scf.if %cond3A_51 {
        %add3A_64 = arith.constant 1 : i32
        %add3A_65 = arith.addi %scan3A_42, %add3A_64 : i32
        %mul3A_66 = arith.constant 2 : i32
        %mul3A_67 = arith.muli %mul3A_66, %add3A_65 : i32
        %add3A_68 = arith.constant 0 : i32
        %add3A_69 = arith.addi %mul3A_67, %add3A_68 : i32
        %mul3A_70 = arith.constant 25600 : i32
        %mul3A_71 = arith.muli %add3A_69, %mul3A_70 : i32
        %add3A_72 = arith.addi %mul3A_2, %mul3A_71 : i32
        %dma_start3A_73 = tpu.memref_slice %arg2[%add3A_72] : memref<3276800xi32, #tpu.memory_space<hbm>> -> memref<25600xi32, #tpu.memory_space<hbm>>
        %dma_start3A_74 = tpu.memref_slice %arg2[%add3A_72] : memref<3276800xi32, #tpu.memory_space<hbm>> -> memref<25600xi32, #tpu.memory_space<hbm>>
        tpu.enqueue_dma source(%dma_start3A_74 : memref<25600xi32, #tpu.memory_space<hbm>>) target(%arg5 : memref<25600xi32, #tpu.memory_space<vmem>>) target_semaphore(%arg10 : memref<!tpu.dma_semaphore, #tpu.memory_space<semaphore_mem>>)
      } else {
      }
      %dma_wait3A_52 = tpu.memref_slice %arg2[%mul3A_2] : memref<3276800xi32, #tpu.memory_space<hbm>> -> memref<25600xi32, #tpu.memory_space<hbm>>
      %dma_wait3A_53 = tpu.memref_slice %arg2[%mul3A_2] : memref<3276800xi32, #tpu.memory_space<hbm>> -> memref<25600xi32, #tpu.memory_space<hbm>>
      tpu.wait_dma2 semaphore(%arg11 : memref<!tpu.dma_semaphore, #tpu.memory_space<semaphore_mem>>) src(%dma_wait3A_53 : memref<25600xi32, #tpu.memory_space<hbm>>) dst(%arg6 : memref<25600xi32, #tpu.memory_space<vmem>>)
      %parallel_loop3A_54 = arith.constant 0 : i32
      %parallel_loop3A_55 = arith.constant 1600 : i32
      %parallel_loop3A_56 = arith.constant 1 : i32
      scf.for %parallel_loop3A_64 = %parallel_loop3A_54 to %parallel_loop3A_55 step %parallel_loop3A_56  : i32 {
        %parallel_loop3A_65 = arith.constant 16 : i32
        %parallel_loop3A_66 = arith.muli %parallel_loop3A_64, %parallel_loop3A_65 : i32
        %parallel_loop3A_67 = arith.index_cast %parallel_loop3A_66 : i32 to index
        %parallel_loop3A_68 = tpu.vector_load %arg6[%parallel_loop3A_67] {strides = array<i32>} : memref<25600xi32, #tpu.memory_space<vmem>>, vector<16xi32>,
        %parallel_loop3A_69 = arith.constant 16 : i32
        %parallel_loop3A_70 = vector.broadcast %parallel_loop3A_69 : i32 to vector<16xi32>
        %parallel_loop3A_71 = arith.muli %parallel_loop3A_68, %parallel_loop3A_70 : vector<16xi32>
        %parallel_loop3A_72 = arith.addi %parallel_loop3A_71, %iota3A : vector<16xi32>
        tpu.vector_store_idx %arg7[%parallel_loop3A_72], %broadcast_in_dim3A_15 {add = true} : memref<832xf32, #tpu.memory_space<vmem>>[vector<16xi32>], vector<16xf32>,
      } {sc.loop_unroll_factor = 8 : i64, sc.parallel_access}
      %add3A_57 = arith.constant 1 : i32
      %add3A_58 = arith.addi %scan3A_42, %add3A_57 : i32
      %lt3A_59 = arith.constant 2 : i32
      %lt3A_60 = arith.cmpi slt, %add3A_58, %lt3A_59 : i32
      %convert_element_type3A_61 = arith.extui %lt3A_60 : i1 to i32
      %cond3A_62 = arith.constant 0 : i32
      %cond3A_63 = arith.cmpi ne, %convert_element_type3A_61, %cond3A_62 : i32
      scf.if %cond3A_63 {
        %add3A_64 = arith.constant 1 : i32
        %add3A_65 = arith.addi %scan3A_42, %add3A_64 : i32
        %mul3A_66 = arith.constant 2 : i32
        %mul3A_67 = arith.muli %mul3A_66, %add3A_65 : i32
        %add3A_68 = arith.constant 1 : i32
        %add3A_69 = arith.addi %mul3A_67, %add3A_68 : i32
        %mul3A_70 = arith.constant 25600 : i32
        %mul3A_71 = arith.muli %add3A_69, %mul3A_70 : i32
        %add3A_72 = arith.addi %mul3A_2, %mul3A_71 : i32
        %dma_start3A_73 = tpu.memref_slice %arg2[%add3A_72] : memref<3276800xi32, #tpu.memory_space<hbm>> -> memref<25600xi32, #tpu.memory_space<hbm>>
        %dma_start3A_74 = tpu.memref_slice %arg2[%add3A_72] : memref<3276800xi32, #tpu.memory_space<hbm>> -> memref<25600xi32, #tpu.memory_space<hbm>>
        tpu.enqueue_dma source(%dma_start3A_74 : memref<25600xi32, #tpu.memory_space<hbm>>) target(%arg6 : memref<25600xi32, #tpu.memory_space<vmem>>) target_semaphore(%arg11 : memref<!tpu.dma_semaphore, #tpu.memory_space<semaphore_mem>>)
      } else {
      }
    }
    %scan3A_21 = arith.constant 2 : i32
    %lt3A = arith.constant 8 : i32
    %lt3A_22 = vector.broadcast %lt3A : i32 to vector<16xi32>
    %lt3A_23 = arith.cmpi slt, %iota3A, %lt3A_22 : vector<16xi32>
    %ge3A = arith.constant 8 : i32
    %ge3A_24 = vector.broadcast %ge3A : i32 to vector<16xi32>
    %ge3A_25 = arith.cmpi sge, %iota3A, %ge3A_24 : vector<16xi32>
    %lt3A_26 = arith.constant 12 : i32
    %lt3A_27 = vector.broadcast %lt3A_26 : i32 to vector<16xi32>
    %lt3A_28 = arith.cmpi slt, %iota3A, %lt3A_27 : vector<16xi32>
    %and3A = arith.andi %ge3A_25, %lt3A_28 : vector<16xi1>
    %and3A_29 = arith.constant 7 : i32
    %and3A_30 = vector.broadcast %and3A_29 : i32 to vector<16xi32>
    %and3A_31 = arith.andi %iota3A, %and3A_30 : vector<16xi32>
    %and3A_32 = arith.constant 3 : i32
    %and3A_33 = vector.broadcast %and3A_32 : i32 to vector<16xi32>
    %and3A_34 = arith.andi %iota3A, %and3A_33 : vector<16xi32>
    %parallel_loop3A = arith.constant 0 : i32
    %parallel_loop3A_35 = arith.constant 52 : i32
    %parallel_loop3A_36 = arith.constant 1 : i32
    %parallel_loop3A_37 = scf.for %parallel_loop3A_42 = %parallel_loop3A to %parallel_loop3A_35 step %parallel_loop3A_36 iter_args(%parallel_loop3A_43 = %broadcast_in_dim3A_8) -> (vector<16xf32>)  : i32 {
      %parallel_loop3A_44 = arith.constant 16 : i32
      %parallel_loop3A_45 = arith.muli %parallel_loop3A_42, %parallel_loop3A_44 : i32
      %parallel_loop3A_46 = arith.index_cast %parallel_loop3A_45 : i32 to index
      %parallel_loop3A_47 = tpu.vector_load %arg7[%parallel_loop3A_46] {strides = array<i32>} : memref<832xf32, #tpu.memory_space<vmem>>, vector<16xf32>,
      %parallel_loop3A_48 = arith.constant true
      %parallel_loop3A_49 = vector.broadcast %parallel_loop3A_48 : i1 to vector<16xi1>
      %parallel_loop3A_50 = tpu.scan <sum>, %parallel_loop3A_47 masked %parallel_loop3A_49 : vector<16xf32>, vector<16xi1> -> vector<16xf32>
      %parallel_loop3A_51 = vector.extract %parallel_loop3A_50[15] : f32 from vector<16xf32>
      %parallel_loop3A_52 = arith.constant 13 : i32
      %parallel_loop3A_53 = arith.constant 0 : i32
      %parallel_loop3A_54 = arith.cmpi eq, %parallel_loop3A_52, %parallel_loop3A_53 : i32
      %parallel_loop3A_55 = arith.constant 1 : i32
      %parallel_loop3A_56 = arith.select %parallel_loop3A_54, %parallel_loop3A_55, %parallel_loop3A_52 : i32
      %parallel_loop3A_57 = arith.remsi %parallel_loop3A_42, %parallel_loop3A_56 : i32
      %parallel_loop3A_58 = arith.constant 0 : i32
      %parallel_loop3A_59 = arith.cmpi ne, %parallel_loop3A_57, %parallel_loop3A_58 : i32
      %parallel_loop3A_60 = arith.constant 0 : i32
      %parallel_loop3A_61 = arith.cmpi slt, %parallel_loop3A_57, %parallel_loop3A_60 : i32
      %parallel_loop3A_62 = arith.constant 0 : i32
      %parallel_loop3A_63 = arith.cmpi slt, %parallel_loop3A_56, %parallel_loop3A_62 : i32
      %parallel_loop3A_64 = arith.xori %parallel_loop3A_61, %parallel_loop3A_63 : i1
      %parallel_loop3A_65 = arith.andi %parallel_loop3A_64, %parallel_loop3A_59 : i1
      %parallel_loop3A_66 = arith.addi %parallel_loop3A_57, %parallel_loop3A_56 : i32
      %parallel_loop3A_67 = arith.select %parallel_loop3A_65, %parallel_loop3A_66, %parallel_loop3A_57 : i32
      %parallel_loop3A_68 = arith.constant 13 : i32
      %parallel_loop3A_69 = arith.divsi %parallel_loop3A_42, %parallel_loop3A_68 : i32
      %parallel_loop3A_70 = arith.constant 0 : i32
      %parallel_loop3A_71 = arith.cmpi sgt, %parallel_loop3A_42, %parallel_loop3A_70 : i32
      %parallel_loop3A_72 = arith.extui %parallel_loop3A_71 : i1 to i32
      %parallel_loop3A_73 = arith.constant 0 : i32
      %parallel_loop3A_74 = arith.cmpi slt, %parallel_loop3A_42, %parallel_loop3A_73 : i32
      %parallel_loop3A_75 = arith.extui %parallel_loop3A_74 : i1 to i32
      %parallel_loop3A_76 = arith.subi %parallel_loop3A_72, %parallel_loop3A_75 : i32
      %parallel_loop3A_77 = arith.constant 0 : i32
      %parallel_loop3A_78 = arith.cmpi sgt, %parallel_loop3A_68, %parallel_loop3A_77 : i32
      %parallel_loop3A_79 = arith.extui %parallel_loop3A_78 : i1 to i32
      %parallel_loop3A_80 = arith.constant 0 : i32
      %parallel_loop3A_81 = arith.cmpi slt, %parallel_loop3A_68, %parallel_loop3A_80 : i32
      %parallel_loop3A_82 = arith.extui %parallel_loop3A_81 : i1 to i32
      %parallel_loop3A_83 = arith.subi %parallel_loop3A_79, %parallel_loop3A_82 : i32
      %parallel_loop3A_84 = arith.cmpi ne, %parallel_loop3A_76, %parallel_loop3A_83 : i32
      %parallel_loop3A_85 = arith.remsi %parallel_loop3A_42, %parallel_loop3A_68 : i32
      %parallel_loop3A_86 = arith.constant 0 : i32
      %parallel_loop3A_87 = arith.cmpi ne, %parallel_loop3A_85, %parallel_loop3A_86 : i32
      %parallel_loop3A_88 = arith.andi %parallel_loop3A_84, %parallel_loop3A_87 : i1
      %parallel_loop3A_89 = arith.constant 1 : i32
      %parallel_loop3A_90 = arith.subi %parallel_loop3A_69, %parallel_loop3A_89 : i32
      %parallel_loop3A_91 = arith.select %parallel_loop3A_88, %parallel_loop3A_90, %parallel_loop3A_69 : i32
      %parallel_loop3A_92 = arith.constant 8 : i32
      %parallel_loop3A_93 = arith.muli %parallel_loop3A_67, %parallel_loop3A_92 : i32
      %parallel_loop3A_94 = vector.broadcast %parallel_loop3A_93 : i32 to vector<16xi32>
      %parallel_loop3A_95 = arith.addi %parallel_loop3A_94, %and3A_31 : vector<16xi32>
      %parallel_loop3A_96 = tpu.vector_load_idx %arg8[%parallel_loop3A_95] : memref<128xf32, #tpu.memory_space<vmem>>[vector<16xi32>], vector<16xf32>,
      %parallel_loop3A_97 = arith.constant 4 : i32
      %parallel_loop3A_98 = arith.muli %parallel_loop3A_91, %parallel_loop3A_97 : i32
      %parallel_loop3A_99 = arith.constant 104 : i32
      %parallel_loop3A_100 = arith.addi %parallel_loop3A_99, %parallel_loop3A_98 : i32
      %parallel_loop3A_101 = vector.broadcast %parallel_loop3A_100 : i32 to vector<16xi32>
      %parallel_loop3A_102 = arith.addi %parallel_loop3A_101, %and3A_34 : vector<16xi32>
      %parallel_loop3A_103 = tpu.vector_load_idx %arg8[%parallel_loop3A_102] : memref<128xf32, #tpu.memory_space<vmem>>[vector<16xi32>], vector<16xf32>,
      %parallel_loop3A_104 = arith.select %lt3A_23, %parallel_loop3A_96, %broadcast_in_dim3A_8 : vector<16xi1>, vector<16xf32>
      %parallel_loop3A_105 = arith.select %and3A, %parallel_loop3A_103, %broadcast_in_dim3A_8 : vector<16xi1>, vector<16xf32>
      %parallel_loop3A_106 = arith.addf %parallel_loop3A_104, %parallel_loop3A_105 : vector<16xf32>
      %parallel_loop3A_107 = vector.broadcast %parallel_loop3A_51 : f32 to vector<16xf32>
      %parallel_loop3A_108 = arith.mulf %parallel_loop3A_107, %parallel_loop3A_106 : vector<16xf32>
      %parallel_loop3A_109 = arith.addf %parallel_loop3A_43, %parallel_loop3A_108 : vector<16xf32>
      scf.yield %parallel_loop3A_109 : vector<16xf32>
    } {sc.loop_unroll_factor = 4 : i64, sc.parallel_access}
    %mul3A_38 = arith.constant 3.05175774E-7 : f32
    %mul3A_39 = vector.broadcast %mul3A_38 : f32 to vector<16xf32>
    %mul3A_40 = arith.mulf %parallel_loop3A_37, %mul3A_39 : vector<16xf32>
    %swap3A = arith.constant 0 : index
    %swap3A_41 = tpu.vector_load %arg9[%swap3A] {strides = array<i32>} : memref<16xf32, #tpu.memory_space<vmem>>, vector<16xf32>,
    tpu.vector_store %arg9[%swap3A], %mul3A_40 {strides = array<i32>} : memref<16xf32, #tpu.memory_space<vmem>>, vector<16xf32>,
    "tpu.region"() ({
      %run_scoped3A = tpu.sem_alloc : memref<!tpu.dma_semaphore, #tpu.memory_space<semaphore_mem>>
      %dma_start3A_42 = arith.constant 0 : i32
      %dma_start3A_43 = tpu.memref_slice %arg4[%add3A, %dma_start3A_42] : memref<32x16xf32, #tpu.memory_space<hbm>> -> memref<1x16xf32, #tpu.memory_space<hbm>>
      %dma_start3A_44 = tpu.memref_squeeze %dma_start3A_43 : memref<1x16xf32, #tpu.memory_space<hbm>> -> memref<16xf32, #tpu.memory_space<hbm>>
      %dma_start3A_45 = arith.constant 0 : i32
      %dma_start3A_46 = tpu.memref_slice %arg4[%add3A, %dma_start3A_45] : memref<32x16xf32, #tpu.memory_space<hbm>> -> memref<1x16xf32, #tpu.memory_space<hbm>>
      %dma_start3A_47 = tpu.memref_squeeze %dma_start3A_46 : memref<1x16xf32, #tpu.memory_space<hbm>> -> memref<16xf32, #tpu.memory_space<hbm>>
      tpu.enqueue_dma source(%arg9 : memref<16xf32, #tpu.memory_space<vmem>>) target(%dma_start3A_47 : memref<16xf32, #tpu.memory_space<hbm>>) target_semaphore(%run_scoped3A : memref<!tpu.dma_semaphore, #tpu.memory_space<semaphore_mem>>)
      %dma_wait3A = arith.constant 0 : i32
      %dma_wait3A_48 = tpu.memref_slice %arg4[%add3A, %dma_wait3A] : memref<32x16xf32, #tpu.memory_space<hbm>> -> memref<1x16xf32, #tpu.memory_space<hbm>>
      %dma_wait3A_49 = tpu.memref_squeeze %dma_wait3A_48 : memref<1x16xf32, #tpu.memory_space<hbm>> -> memref<16xf32, #tpu.memory_space<hbm>>
      %dma_wait3A_50 = arith.constant 0 : i32
      %dma_wait3A_51 = tpu.memref_slice %arg4[%add3A, %dma_wait3A_50] : memref<32x16xf32, #tpu.memory_space<hbm>> -> memref<1x16xf32, #tpu.memory_space<hbm>>
      %dma_wait3A_52 = tpu.memref_squeeze %dma_wait3A_51 : memref<1x16xf32, #tpu.memory_space<hbm>> -> memref<16xf32, #tpu.memory_space<hbm>>
      tpu.wait_dma2 semaphore(%run_scoped3A : memref<!tpu.dma_semaphore, #tpu.memory_space<semaphore_mem>>) src(%arg9 : memref<16xf32, #tpu.memory_space<vmem>>) dst(%dma_wait3A_52 : memref<16xf32, #tpu.memory_space<hbm>>)
      tpu.yield
    }) : () -> ()
    return
  }
}

</mosaic_0001>

<sc_bundles>
// kernel: _histogram_embed.3.cloned.1.call-start
scs
__scs_entry_jumppad:
0x0: {  	(pc) =	sbr.rel $0x88, $3  }
0x1: {  	(tag) =	ssettag $0x0;
	lr =	simm.s32 $0x1  }
0x2: {  	[smem:$0x3F9F] =	sst lr;
	_ =	strace $0xD0000000  }
0x3: {  	_ = 	snop  }
0x4: {  	_ = 	snop  }
0x5: {  	_ = 	snop  }
0x6: {  	_ = 	snop  }
0x7: {  	_ = 	snop  }
__scs_overlays_trampoline_lowered:
0x8: {  	[smem:$0x3FAE] =	sst s0  }
0x9: {  	[smem:$0x3FAF] =	sst s1  }
0xa: {  	[smem:$0x3FB0] =	sst s2  }
0xb: {  	[smem:$0x3FB1] =	sst s3  }
0xc: {  	[smem:$0x3FB2] =	sst s4  }
0xd: {  	[smem:$0x3FB3] =	sst s5  }
0xe: {  	[smem:$0x3FB4] =	sst s6  }
0xf: {  	[smem:$0x3FB5] =	sst s7  }
0x10: {  	[smem:$0x3FB6] =	sst s8  }
0x11: {  	[smem:$0x3FB7] =	sst s9;
	s0 =	simm.s32 @!p0 $0x0  }
0x12: {  	s1 =	sld [smem:$0x3F9D];
	s0 =	simm.s32 @p0 $0x1  }
0x13: {  	[smem:$0x3FB8] =	sst s0;
	s0 =	simm.s32 @!p1 $0x0  }
0x14: {  	s2 =	sld [smem:$0x3F9C];
	s0 =	simm.s32 @p1 $0x1  }
0x15: {  	[smem:$0x3FB9] =	sst s0;
	s0 =	simm.s32 @!p2 $0x0  }
0x16: {  	s3 =	sld [smem:$0x3FDB];
	s0 =	simm.s32 @p2 $0x1  }
0x17: {  	s4 =	simm.s32 $0x1BF5;
	[smem:$0x3FBB] =	sst s0  }
0x18: {  	s0 =	sld [smem:$0x3F9E];
	_ =	swait.ge [sflag:s4], $0x0  }
0x19: {  	s7 =	sld [smem:$0x3F9F]  }
0x1a: {  	s8 =	sadd.s32 $0xFFFFE003, lr  }
0x1b: {  	s9 =	sadd.s32 $0xFFFFFEF7, lr;
	s5 =	simm.s32 $0xFFFFFFFF;
	p2 =	slt.u32 s8, $0xFFFFF086  }
0x1c: {  	p1 =	slt.u32 s9, $0xF7A;
	s5 =	simm.s32 @!p2 $0x0  }
0x1d: {  	s5 =	simm.s32 @p1 $0x1;
	p0 =	seq.s32 s7, s2  }
0x1e: {  	s7 =	smul.u32 @!p0 $0xF7A, s2;
	p2 =	seq.s32 @!p0 s5, $0x0  }
0x1f: {  	s9 =	smul.u32 $0xF7A, s1;
	s8 =	simm.s32 @!p0 $0x1BF5;
	p2 =	por !p2, p0  }
0x20: {  	[sflag:s8] =	ssyncset.s32 @!p0 $0xFFFFF086;
	s6 =	sadd.s32 @!p0 s3, s7;
	s7 =	simm.s32 @!p0 $0x108  }
0x21: {  	s3 =	sadd.s32 s3, s9;
	s6 =	sadd.s32 @!p0 $0x88, s6;
	s7 =	simm.s32 @p2 $0x1082  }
0x22: {  	[simem:s7], [sflag:s8] =	dma.local @!p0 [hbm:s6], $0xF7A  }
0x23: {  	s9 =	sor.u32 $0xD0000000, s2;
	s6 =	simm.s32 $0x108;
	_ =	swait.ge @!p0 [sflag:s8], $0x0  }
0x24: {  	s3 =	sadd.s32 $0x88, s3;
	s6 =	simm.s32 @!p1 $0x1082;
	[sflag:s4] =	ssyncset.s32 $0xFFFFF086  }
0x25: {  	[simem:s6], [sflag:s4] =	dma.local [hbm:s3], $0xF7A  }
0x26: {  	[smem:$0x3F9F] =	sst s1;
	(tag) =	ssettag s2;
	_ =	strace s9  }
0x27: {  	s1 =	sld [smem:$0x3FAF]  }
0x28: {  	s2 =	sld [smem:$0x3FB0]  }
0x29: {  	s4 =	sld [smem:$0x3FB2]  }
0x2a: {  	p0 =	seq.s32 s5, $0x0;
	s5 =	sld [smem:$0x3FB3]  }
0x2b: {  	s6 =	sld [smem:$0x3FB4]  }
0x2c: {  	s7 =	sld [smem:$0x3FB5]  }
0x2d: {  	s3 =	simm.s32 $0x108;
	s8 =	sld [smem:$0x3FB6]  }
0x2e: {  	s3 =	simm.s32 @!p0 $0x1082;
	s9 =	sld [smem:$0x3FB7]  }
0x2f: {  	lr =	sadd.s32 s0, s3;
	s0 =	sld [smem:$0x3FAE]  }
0x30: {  	s3 =	sld [smem:$0x3FB1]  }
0x31: {  	[smem:$0x3FBA] =	sst s10  }
0x32: {  	s10 =	sld [smem:$0x3FB8];
	_ =	sdelay $0x3  }
0x33: {  	p0 =	seq.s32 s10, $0x1;
	s10 =	sld [smem:$0x3FBA];
	_ =	sdelay $0x3  }
0x34: {  	[smem:$0x3FBA] =	sst s10  }
0x35: {  	s10 =	sld [smem:$0x3FB9];
	_ =	sdelay $0x3  }
0x36: {  	p1 =	seq.s32 s10, $0x1;
	s10 =	sld [smem:$0x3FBA];
	_ =	sdelay $0x3  }
0x37: {  	[smem:$0x3FBA] =	sst s10  }
0x38: {  	s10 =	sld [smem:$0x3FBB]  }
0x39: {  	_ = 	snop;
	(pc) =	sbr.ind lr, $3  }
0x3a: {  	_ = 	snop  }
0x3b: {  	_ = 	snop  }
0x3c: {  	p2 =	seq.s32 s10, $0x1;
	s10 =	sld [smem:$0x3FBA]  }
0x3d: {  	_ =	shalt  }
0x3e: {  	_ =	shalt  }
0x3f: {  	_ =	shalt  }
0x40: {  	_ =	shalt  }
0x41: {  	_ =	shalt  }
0x42: {  	_ =	shalt  }
0x43: {  	_ =	shalt  }
0x44: {  	_ =	shalt  }
0x45: {  	_ =	shalt  }
0x46: {  	_ =	shalt  }
0x47: {  	_ =	shalt  }
0x48: {  	_ =	shalt  }
0x49: {  	_ =	shalt  }
0x4a: {  	_ =	shalt  }
0x4b: {  	_ =	shalt  }
0x4c: {  	_ =	shalt  }
0x4d: {  	_ =	shalt  }
0x4e: {  	_ =	shalt  }
0x4f: {  	_ =	shalt  }
0x50: {  	_ =	shalt  }
0x51: {  	_ =	shalt  }
0x52: {  	_ =	shalt  }
0x53: {  	_ =	shalt  }
0x54: {  	_ =	shalt  }
0x55: {  	_ =	shalt  }
0x56: {  	_ =	shalt  }
0x57: {  	_ =	shalt  }
0x58: {  	_ =	shalt  }
0x59: {  	_ =	shalt  }
0x5a: {  	_ =	shalt  }
0x5b: {  	_ =	shalt  }
0x5c: {  	_ =	shalt  }
0x5d: {  	_ =	shalt  }
0x5e: {  	_ =	shalt  }
0x5f: {  	_ =	shalt  }
0x60: {  	_ =	shalt  }
0x61: {  	_ =	shalt  }
0x62: {  	_ =	shalt  }
0x63: {  	_ =	shalt  }
0x64: {  	_ =	shalt  }
0x65: {  	_ =	shalt  }
0x66: {  	_ =	shalt  }
0x67: {  	_ =	shalt  }
0x68: {  	_ =	shalt  }
0x69: {  	_ =	shalt  }
0x6a: {  	_ =	shalt  }
0x6b: {  	_ =	shalt  }
0x6c: {  	_ =	shalt  }
0x6d: {  	_ =	shalt  }
0x6e: {  	_ =	shalt  }
0x6f: {  	_ =	shalt  }
0x70: {  	_ =	shalt  }
0x71: {  	_ =	shalt  }
0x72: {  	_ =	shalt  }
0x73: {  	_ =	shalt  }
0x74: {  	_ =	shalt  }
0x75: {  	_ =	shalt  }
0x76: {  	_ =	shalt  }
0x77: {  	_ =	shalt  }
0x78: {  	_ =	shalt  }
0x79: {  	_ =	shalt  }
0x7a: {  	_ =	shalt  }
0x7b: {  	_ =	shalt  }
0x7c: {  	_ =	shalt  }
0x7d: {  	_ =	shalt  }
0x7e: {  	_ =	shalt  }
0x7f: {  	_ =	shalt  }
0x80: {  	_ =	shalt  }
0x81: {  	_ =	shalt  }
0x82: {  	_ =	shalt  }
0x83: {  	_ =	shalt  }
0x84: {  	_ =	shalt  }
0x85: {  	_ =	shalt  }
0x86: {  	_ =	shalt  }
0x87: {  	_ =	shalt  }
.Lfunc_end0:
.L_simem_size_0:
called_computation_lowered:
.L_overlay_start_0:
0x88: {  	s2 =	sld [smem:$0x3FD9]  }
0x89: {  	s3 =	sld [smem:$0x3FFE];
	_ =	sdelay $0x1  }
0x8a: {  	s1 =	srdreg.scid  }
0x8b: {  	s0 =	sand.u32 $0x1, s1  }
0x8c: {  	s17 =	sshll.u32 s0, $0xA;
	s2 =	sadd.s32 s3, s2  }
0x8d: {  	s2 =	sadd.s32 s2, s17  }
0x8e: {  	[smem:$0x3FC6] =	sst s2  }
0x8f: {  	_ = 	snop  }
0x90: {  	s2 =	sld [smem:$0x3FC9]  }
0x91: {  	s18 =	sld [smem:$0x3FC8];
	(tm) =	ssettm $0x1  }
0x92: {  	s4 =	sld [smem:$0x3FFB];
	_ =	sdelay $0x3  }
0x93: {  	_ =	strace s4  }
0x94: {  	s4 =	sld [smem:$0x3FFC];
	_ =	sdelay $0x3  }
0x95: {  	_ =	strace s4  }
0x96: {  	s4 =	sld [smem:$0x3FFD];
	_ =	sdelay $0x3  }
0x97: {  	_ =	strace s4  }
0x98: {  	_ =	strace $0x8FFFFFFF  }
0x99: {  	s19 =	sld [smem:$0x3FDB];
	_ =	sdelay $0x1  }
0x9a: {  	s5 =	simm.s32 $_scs_section_size  }
0x9b: {  	s6 =	simm.s32 $_size__tile_overlayer_lowered;
	s7 =	simm.s32 $_tile_overlayer_lowered  }
0x9c: {  	s22 =	simm.s32 $0x1BFF;
	s21 =	sshll.u32 s7, $0x1;
	s4 =	sadd.s32 s5, s19  }
0x9d: {  	s8 =	simm.s32 $0x0;
	s20 =	sshll.u32 s6, $0x1;
	s6 =	sadd.s32 s21, s4  }
0x9e: {  	[timem:s8], [sflag:s22] =	dma.local [hbm:s6], s20  }
0x9f: {  	_ =	swait.ge [sflag:s22], s20  }
0xa0: {  	s5 =	ssub.s32 $0x0, s20;
	[sflag:s22] =	ssyncset.done $0x0  }
0xa1: {  	[sflag:s22] =	ssyncadd.s32 s5;
	_ =	sdelay $0x1  }
0xa2: {  	s23 =	simm.s32 $0x1B8B  }
0xa3: {  	_ =	swait.ge [sflag:s23], $0x1  }
0xa4: {  	[sflag:s23] =	ssyncset.done $0x0  }
0xa5: {  	s25 =	simm.s32 $0x1B8E;
	s24 =	sld [smem:$0x3FFE];
	[sflag:s23] =	ssyncadd.s32 $0xFFFFFFFF  }
0xa6: {  	s26 =	simm.s32 $execute0_lowered;
	[smem:$0x3FD2] =	sst s25  }
0xa7: {  	s6 =	sshll.u32 s26, $0x1;
	_ =	strace $0x80000046;
	[dreg:$0x1] =	wrdreg $0xFFFFFFFF  }
0xa8: {  	s28 =	simm.s32 $_size_execute0_lowered;
	s4 =	sadd.s32 s4, s6;
	[dreg:$0x0] =	wrdreg $0x0  }
0xa9: {  	s6 =	sshll.u32 s28, $0x1;
	[dreg:$0x2] =	wrdreg s4  }
0xaa: {  	[dreg:$0x3] =	wrdreg s6  }
0xab: {  	[dreg:$0x4] =	wrdreg $0xC0  }
0xac: {  	_ =	task [dreg:s8], $0x5FFFF  }
0xad: {  	[dreg:$0x1] =	wrdreg $0xFFFFFFFF  }
0xae: {  	[dreg:$0x0] =	wrdreg $0x60  }
0xaf: {  	[dreg:$0x2] =	wrdreg s2  }
0xb0: {  	[dreg:$0x3] =	wrdreg s18  }
0xb1: {  	[dreg:$0x4] =	wrdreg s24  }
0xb2: {  	[dreg:$0x5] =	wrdreg $0x9  }
0xb3: {  	_ =	task.clear_ibuf [dreg:s8], $0x6FFFF;
	_ =	strace $0x90000046  }
0xb4: {  	s29 =	simm.s32 $0x9;
	_ =	strace $0x80000048  }
0xb5: {  	_ =	swait.ge [sflag:s29], $0x1  }
0xb6: {  	[sflag:s29] =	ssyncadd.s32 $0xFFFFFFFF  }
0xb7: {  	_ =	strace $0x90000048  }
0xb8: {  	_ =	sfence  }
0xb9: {  	s30 =	sld [smem:$0x0];
	_ =	sdelay $0x2  }
0xba: {  	s31 =	sshll.u32 s1, $0xD;
	s1 =	sshrl.u32 s1, $0x2  }
0xbb: {  	s3 =	sand.u32 $0x4000, s31;
	s1 =	sadd.s32 s1, s30  }
0xbc: {  	s0 =	sor.u32 s3, s0;
	s1 =	sshll.u32 s1, $0x11  }
0xbd: {  	s0 =	sor.u32 s1, s0  }
0xbe: {  	s0 =	sadd.s32 $0x8F2B, s0  }
0xbf: {  	[sflag:s0] =	ssyncadd.remote.s32 $0x1  }
0xc0: {  	_ =	sfence.sel $0xFFFF  }
0xc1: {  	[dreg:$0x0] =	wrdreg $0xFFFFFFFF;
	(pc) =	sbr.abs _section_cstart, $3  }
0xc2: {  	[dreg:$0x1] =	wrdreg $0xFFFFFFFF  }
0xc3: {  	_ =	task.clear_ibuf [dreg:s8], $0x2FFFF;
	_ =	strace $0x9FFFFFFF  }
0xc4: {  	(tm) =	ssettm $0x7FFFFFFF  }
0xc5: {  	_ =	shalt  }
tec
execute0_lowered:
.L_overlay_start_1:
0x0: {  	(tag) =	ssettag $0x1  }
0x1: {  	s4 =	rddreg [dreg:$0x0]  }
0x2: {  	s1 =	srdreg.scid;
	s2 =	rddreg [dreg:$0x1]  }
0x3: {  	s0 =	stileid.u32;
	s6 =	rddreg [dreg:$0x2];
	s3 =	simm.s32 $0x0  }
0x4: {  	s10 =	simm.s32 $0x6400;
	s11 =	simm.s32 $0xCB80;
	s12 =	simm.s32 $0x3  }
0x5: {  	s13 =	simm.s32 $0x1;
	s14 =	simm.s32 $0xC800;
	s15 =	simm.s32 $0x2  }
0x6: {  	s16 =	simm.s32 $0xCC00;
	s5 =	sand.u32 $0x1, s1;
	s30 =	sshll.u32 s0, $0x1  }
0x7: {  	s17 =	simm.s32 $0x0;
	s1 =	rddreg [dreg:$0x3];
	s7 =	sor.u32 s5, s30  }
0x8: {  	[smem:$0x7FF] =	sst s3;
	s5 =	ssub.s32 $0x2, s5;
	s8 =	smul.u32 $0x19000, s7  }
0x9: {  	_ =	strace $0x80000047;
	s7 =	sshll.u32 s7, $0x4;
	s9 =	sshrl.u32 s5, $0x1  }
0xa: {  	v0 =	vlaneseq.u32;
	s31 =	sadd.s32 s7, s6;
	s9 =	ssub.s32 s5, s9;
	s8 =	sshrl.u32 s8, $0x3  }
0xb: {  	v1 =	vimm.f32 $0.0e+00;
	v2 =	vimm.f32 $1.000000000e+00;
	vm0 =	vmmov $0xff;
	s9 =	smax.u32 s9, $0x1;
	s4 =	sadd.s32 s4, s8;
	s8 =	sadd.s32 $0x400, s31  }
0xc: {  	vm1 =	vcmask $0x1F30;
	v3 =	vand.u32 $0x7, v0;
	v4 =	vand.u32 $0x3, v0;
	s5 =	sadd.s32 $0xC80, s4;
	s6 =	sadd.s32 $0x1900, s4;
	s7 =	sadd.s32 $0x2580, s4  }
.LBB2_1:
0xd: {  	[tilespmem:s3], [sflag:$0x1] =	stream.linear.gather [hbm4b:s4+s3], $0x6400, $0x38;
	[tilespmem:$0xCC80] =	vst v63  }
0xe: {  	_ = 	snop  }
0xf: {  	[tilespmem:s10], [sflag:$0x2] =	stream.linear.gather [hbm4b:s5+s3], $0x6400, $0x38;
	[tilespmem:$0xCC80] =	vst v63  }
0x10: {  	_ = 	snop  }
0x11: {  	[tilespmem:s11], [sflag:$0x3] =	stream.linear.gather [hbm4b:s2+s3], $0x80, $0x38;
	[tilespmem:$0xCC80] =	vst v63  }
0x12: {  	_ =	swait.ge [sflag:s12], $0x80  }
0x13: {  	[sflag:s12] =	ssyncset.done $0x0  }
0x14: {  	s18 =	simm.s32 $0x0;
	[sflag:s12] =	ssyncadd.s32 $0xFFFFFF80  }
.LBB2_2:
0x15: {  	p0 =	sne.s32 s18, $0xCC0  }
.Ltmp0:
0x16: {  	_ = 	snop;
	(pc) =	sbr.rel @p0 .LBB2_2-.Ltmp0, $3  }
0x17: {  	_ =	sdelay $0x1  }
0x18: {  	s19 =	sshra.s32 s18, $0x2  }
0x19: {  	s18 =	sadd.s32 $0x40, s18;
	[tilespmem:s19+$0xC800] =	vst v1  }
0x1a: {  	p0 =	por $0x1, $0x1  }
.LBB2_4:
0x1b: {  	_ =	swait.ge [sflag:s13], $0x6400  }
0x1c: {  	[sflag:s13] =	ssyncset.done $0x0  }
0x1d: {  	s18 =	simm.s32 $0x40;
	[sflag:s13] =	ssyncadd.s32 $0xFFFF9C00  }
0x1e: {  	v5 =	vld [tilespmem:s18+$0x30]  }
0x1f: {  	v6 =	vld [tilespmem:s18+$0xFFFFFFD0]  }
0x20: {  	v7 =	vld [tilespmem:s18+$0xFFFFFFE0]  }
0x21: {  	v8 =	vld [tilespmem:s18+$0xFFFFFFF0]  }
0x22: {  	v9 =	vld [tilespmem:s18+$0x0]  }
0x23: {  	v5 =	vshll.u32 v5, $0x4  }
0x24: {  	v6 =	vshll.u32 v6, $0x4;
	v5 =	vor.u32 v0, v5  }
0x25: {  	v7 =	vshll.u32 v7, $0x4;
	v6 =	vor.u32 v0, v6  }
0x26: {  	v10 =	vld [tilespmem:s18+$0x10];
	v8 =	vshll.u32 v8, $0x4;
	v7 =	vor.u32 v0, v7  }
0x27: {  	v11 =	vld [tilespmem:s18+$0x20];
	v9 =	vshll.u32 v9, $0x4;
	v8 =	vor.u32 v0, v8  }
0x28: {  	v12 =	vld [tilespmem:s18+$0xFFFFFFC0];
	v9 =	vor.u32 v0, v9  }
0x29: {  	[tilespmem:v5+s14+$0x0] =	vst.idx.add.f32.msk $0xffff, v2  }
0x2a: {  	[tilespmem:v6+s14+$0x0] =	vst.idx.add.f32.msk $0xffff, v2  }
0x2b: {  	[tilespmem:v7+s14+$0x0] =	vst.idx.add.f32.msk $0xffff, v2  }
0x2c: {  	[tilespmem:v8+s14+$0x0] =	vst.idx.add.f32.msk $0xffff, v2  }
0x2d: {  	v5 =	vshll.u32 v10, $0x4;
	v6 =	vshll.u32 v11, $0x4;
	v7 =	vshll.u32 v12, $0x4;
	[tilespmem:v9+s14+$0x0] =	vst.idx.add.f32.msk $0xffff, v2  }
0x2e: {  	s19 =	simm.s32 $0xC0;
	s18 =	simm.s32 $0x0;
	v5 =	vor.u32 v0, v5;
	v6 =	vor.u32 v0, v6;
	v7 =	vor.u32 v0, v7  }
.LBB2_5:
0x2f: {  	v8 =	vld [tilespmem:s19+$0x30];
	s18 =	sadd.s32 $0x8, s18  }
0x30: {  	v9 =	vld [tilespmem:s19+$0xFFFFFFD0];
	p1 =	slt.u32 s18, $0x638  }
0x31: {  	v10 =	vld [tilespmem:s19+$0xFFFFFFE0]  }
0x32: {  	v11 =	vld [tilespmem:s19+$0xFFFFFFF0]  }
0x33: {  	v12 =	vld [tilespmem:s19+$0x0]  }
0x34: {  	v13 =	vld [tilespmem:s19+$0x10];
	v8 =	vshll.u32 v8, $0x4  }
0x35: {  	v9 =	vshll.u32 v9, $0x4;
	v14 =	vld [tilespmem:s19+$0x20];
	v8 =	vor.u32 v0, v8  }
0x36: {  	v15 =	vld [tilespmem:s19+$0xFFFFFFC0];
	v9 =	vor.u32 v0, v9;
	v10 =	vshll.u32 v10, $0x4  }
0x37: {  	v10 =	vor.u32 v0, v10;
	v11 =	vshll.u32 v11, $0x4;
	[tilespmem:v7+s14+$0x0] =	vst.idx.add.f32.msk $0xffff, v2  }
0x38: {  	v11 =	vor.u32 v0, v11;
	v7 =	vshll.u32 v12, $0x4;
	[tilespmem:v5+s14+$0x0] =	vst.idx.add.f32.msk $0xffff, v2  }
0x39: {  	v12 =	vor.u32 v0, v7;
	v5 =	vshll.u32 v13, $0x4;
	[tilespmem:v6+s14+$0x0] =	vst.idx.add.f32.msk $0xffff, v2  }
.Ltmp1:
0x3a: {  	v5 =	vor.u32 v0, v5;
	v6 =	vshll.u32 v14, $0x4;
	[tilespmem:v8+s14+$0x0] =	vst.idx.add.f32.msk $0xffff, v2;
	(pc) =	sbr.rel @p1 .LBB2_5-.Ltmp1, $4  }
0x3b: {  	v7 =	vshll.u32 v15, $0x4;
	[tilespmem:v9+s14+$0x0] =	vst.idx.add.f32.msk $0xffff, v2;
	v6 =	vor.u32 v0, v6  }
0x3c: {  	v7 =	vor.u32 v0, v7;
	[tilespmem:v10+s14+$0x0] =	vst.idx.add.f32.msk $0xffff, v2  }
0x3d: {  	[tilespmem:v11+s14+$0x0] =	vst.idx.add.f32.msk $0xffff, v2  }
0x3e: {  	s19 =	sadd.s32 $0x80, s19;
	[tilespmem:v12+s14+$0x0] =	vst.idx.add.f32.msk $0xffff, v2  }
0x3f: {  	_ =	sdelay $0x3  }
0x40: {  	[tilespmem:v7+s14+$0x0] =	vst.idx.add.f32.msk $0xffff, v2  }
0x41: {  	[tilespmem:v5+s14+$0x0] =	vst.idx.add.f32.msk $0xffff, v2  }
0x42: {  	[tilespmem:v6+s14+$0x0] =	vst.idx.add.f32.msk $0xffff, v2;
	s18 =	simm.s32 @p0 $0x0  }
0x43: {  	[tilespmem:s18], [sflag:$0x1] =	stream.linear.gather @p0 [hbm4b:s6+s18], $0x6400, $0x38;
	[tilespmem:$0xCC80] =	vst v63  }
0x44: {  	_ =	swait.ge [sflag:s15], $0x6400  }
0x45: {  	[sflag:s15] =	ssyncset.done $0x0  }
0x46: {  	s31 =	simm.s32 $0x6440;
	[sflag:s15] =	ssyncadd.s32 $0xFFFF9C00  }
0x47: {  	v5 =	vld [tilespmem:s31+$0x30]  }
0x48: {  	v6 =	vld [tilespmem:s31+$0xFFFFFFD0]  }
0x49: {  	v7 =	vld [tilespmem:s31+$0xFFFFFFE0]  }
0x4a: {  	v8 =	vld [tilespmem:s31+$0xFFFFFFF0]  }
0x4b: {  	v9 =	vld [tilespmem:s31+$0x0]  }
0x4c: {  	v5 =	vshll.u32 v5, $0x4  }
0x4d: {  	v6 =	vshll.u32 v6, $0x4;
	v5 =	vor.u32 v0, v5  }
0x4e: {  	v7 =	vshll.u32 v7, $0x4;
	v6 =	vor.u32 v0, v6  }
0x4f: {  	v10 =	vld [tilespmem:s31+$0x10];
	v8 =	vshll.u32 v8, $0x4;
	v7 =	vor.u32 v0, v7  }
0x50: {  	v11 =	vld [tilespmem:s31+$0x20];
	v9 =	vshll.u32 v9, $0x4;
	v8 =	vor.u32 v0, v8  }
0x51: {  	v12 =	vld [tilespmem:s31+$0xFFFFFFC0];
	v9 =	vor.u32 v0, v9  }
0x52: {  	[tilespmem:v5+s14+$0x0] =	vst.idx.add.f32.msk $0xffff, v2  }
0x53: {  	[tilespmem:v6+s14+$0x0] =	vst.idx.add.f32.msk $0xffff, v2  }
0x54: {  	[tilespmem:v7+s14+$0x0] =	vst.idx.add.f32.msk $0xffff, v2  }
0x55: {  	[tilespmem:v8+s14+$0x0] =	vst.idx.add.f32.msk $0xffff, v2  }
0x56: {  	v5 =	vshll.u32 v10, $0x4;
	v6 =	vshll.u32 v11, $0x4;
	v7 =	vshll.u32 v12, $0x4;
	[tilespmem:v9+s14+$0x0] =	vst.idx.add.f32.msk $0xffff, v2  }
0x57: {  	s19 =	simm.s32 $0x64C0;
	s18 =	simm.s32 $0x0;
	v5 =	vor.u32 v0, v5;
	v6 =	vor.u32 v0, v6;
	v7 =	vor.u32 v0, v7  }
.LBB2_7:
0x58: {  	v8 =	vld [tilespmem:s19+$0x30];
	s18 =	sadd.s32 $0x8, s18  }
0x59: {  	v9 =	vld [tilespmem:s19+$0xFFFFFFD0];
	p1 =	slt.u32 s18, $0x638  }
0x5a: {  	v10 =	vld [tilespmem:s19+$0xFFFFFFE0]  }
0x5b: {  	v11 =	vld [tilespmem:s19+$0xFFFFFFF0]  }
0x5c: {  	v12 =	vld [tilespmem:s19+$0x0]  }
0x5d: {  	v13 =	vld [tilespmem:s19+$0x10];
	v8 =	vshll.u32 v8, $0x4  }
0x5e: {  	v9 =	vshll.u32 v9, $0x4;
	v14 =	vld [tilespmem:s19+$0x20];
	v8 =	vor.u32 v0, v8  }
0x5f: {  	v15 =	vld [tilespmem:s19+$0xFFFFFFC0];
	v9 =	vor.u32 v0, v9;
	v10 =	vshll.u32 v10, $0x4  }
0x60: {  	v10 =	vor.u32 v0, v10;
	v11 =	vshll.u32 v11, $0x4;
	[tilespmem:v7+s14+$0x0] =	vst.idx.add.f32.msk $0xffff, v2  }
0x61: {  	v11 =	vor.u32 v0, v11;
	v7 =	vshll.u32 v12, $0x4;
	[tilespmem:v5+s14+$0x0] =	vst.idx.add.f32.msk $0xffff, v2  }
0x62: {  	v12 =	vor.u32 v0, v7;
	v5 =	vshll.u32 v13, $0x4;
	[tilespmem:v6+s14+$0x0] =	vst.idx.add.f32.msk $0xffff, v2  }
.Ltmp2:
0x63: {  	v5 =	vor.u32 v0, v5;
	v6 =	vshll.u32 v14, $0x4;
	[tilespmem:v8+s14+$0x0] =	vst.idx.add.f32.msk $0xffff, v2;
	(pc) =	sbr.rel @p1 .LBB2_7-.Ltmp2, $4  }
0x64: {  	v7 =	vshll.u32 v15, $0x4;
	[tilespmem:v9+s14+$0x0] =	vst.idx.add.f32.msk $0xffff, v2;
	v6 =	vor.u32 v0, v6  }
0x65: {  	v7 =	vor.u32 v0, v7;
	[tilespmem:v10+s14+$0x0] =	vst.idx.add.f32.msk $0xffff, v2  }
0x66: {  	[tilespmem:v11+s14+$0x0] =	vst.idx.add.f32.msk $0xffff, v2  }
0x67: {  	s19 =	sadd.s32 $0x80, s19;
	[tilespmem:v12+s14+$0x0] =	vst.idx.add.f32.msk $0xffff, v2  }
0x68: {  	_ =	sdelay $0x1  }
.Ltmp3:
0x69: {  	_ = 	snop;
	(pc) =	sbr.rel @!p0 .LBB2_9-.Ltmp3, $4  }
0x6a: {  	_ = 	snop  }
0x6b: {  	[tilespmem:v7+s14+$0x0] =	vst.idx.add.f32.msk $0xffff, v2  }
0x6c: {  	[tilespmem:v5+s14+$0x0] =	vst.idx.add.f32.msk $0xffff, v2  }
0x6d: {  	[tilespmem:v6+s14+$0x0] =	vst.idx.add.f32.msk $0xffff, v2  }
.Ltmp4:
0x6e: {  	(pc) =	sbr.rel .LBB2_4-.Ltmp4, $3  }
0x6f: {  	_ =	sdelay $0x1  }
0x70: {  	[tilespmem:s10], [sflag:$0x2] =	stream.linear.gather [hbm4b:s7+s3], $0x6400, $0x38;
	[tilespmem:$0xCC80] =	vst v63  }
0x71: {  	p0 =	por $0x0, $0x0  }
.LBB2_9:
0x72: {  	s18 =	simm.s32 $0xFFFFFFFC  }
0x73: {  	s20 =	simm.s32 $0xC820;
	s18 =	smul.u32 $0x4F, s18  }
0x74: {  	v6 =	vld [tilespmem:s20+$0x10]  }
0x75: {  	s19 =	simm.s32 $0x0;
	v7 =	vld [tilespmem:s20+$0xFFFFFFF0];
	s21 =	sadd.s32 $0x18B, s18  }
0x76: {  	s22 =	sadd.s32 $0x1DA, s18;
	s23 =	sadd.s32 $0x13C, s18;
	s24 =	sshrl.u32 s21, $0xA  }
0x77: {  	s25 =	sshrl.u32 s22, $0x8;
	s26 =	sshrl.u32 s23, $0xA;
	s21 =	sshrl.u32 s21, $0x8  }
0x78: {  	s23 =	sshrl.u32 s23, $0x8;
	s29 =	sshrl.u32 s22, $0xA;
	s24 =	smul.u32 $0xD, s24  }
0x79: {  	s26 =	smul.u32 $0xD, s26;
	s25 =	sand.u32 $0x7C, s25;
	s23 =	sand.u32 $0x7C, s23;
	(xrf2) =	vadd.scan.msk.f32 $0xffff, v6  }
0x7a: {  	s21 =	sand.u32 $0x7C, s21;
	s31 =	smul.u32 $0xD, s29;
	s29 =	sadd.s32 $0x229, s18;
	(xrf2) =	vadd.scan.msk.f32 $0xffff, v7  }
0x7b: {  	v8 =	vld [tilespmem:s20+$0xFFFFFFE0];
	s18 =	simm.s32 $0xC860;
	s25 =	sadd.s32 $0x68, s25;
	s26 =	ssub.s32 $0x0, s26  }
0x7c: {  	s28 =	sadd.s32 $0x68, s21;
	s24 =	ssub.s32 $0xFFFFFFFC, s24;
	s26 =	sshll.u32 s26, $0x3  }
0x7d: {  	s21 =	smul.u32 $0x4F, s19;
	s24 =	sshll.u32 s24, $0x3;
	s26 =	sand.u32 $0xF8, s26  }
0x7e: {  	s23 =	sadd.s32 $0x68, s23;
	s30 =	sadd.s32 $0x28, s24;
	s24 =	ssub.s32 $0xFFFFFFFC, s31;
	v7 =	vor.u32 s26, v3  }
0x7f: {  	v10 =	vld [tilespmem:s20+$0x0];
	s22 =	sand.u32 $0xF8, s30;
	s30 =	sshrl.u32 s29, $0xA;
	s26 =	sadd.s32 $0x18B, s21  }
0x80: {  	v6 =	vor.u32 s23, v4;
	(xrf2) =	vadd.scan.msk.f32 $0xffff, v8;
	s23 =	sshll.u32 s24, $0x3;
	s24 =	sadd.s32 $0x13C, s21;
	s31 =	smul.u32 $0xD, s30  }
0x81: {  	v11 =	vor.u32 s25, v4;
	v8 =	vor.u32 s28, v4;
	s30 =	sadd.s32 $0x1DA, s21;
	s23 =	sadd.s32 $0x30, s23;
	s25 =	sshrl.u32 s26, $0xA  }
0x82: {  	v12 =	vld [tilespmem:s18+$0x10];
	v9 =	vor.u32 s22, v3;
	s26 =	sshrl.u32 s26, $0x8;
	s20 =	sand.u32 $0xF8, s23;
	s25 =	smul.u32 $0xD, s25  }
0x83: {  	s28 =	ssub.s32 $0xFFFFFFFC, s31;
	s31 =	sshrl.u32 s29, $0x8;
	s29 =	sshrl.u32 s30, $0x8;
	v18 =	vld.idx.msk [tilespmem:v7+s11+$0x0], $0xffff;
	v7, _, _ =	vpop (xrf2)  }
0x84: {  	v20 =	vld [tilespmem:s18+$0xFFFFFFF0];
	s23 =	sshll.u32 s28, $0x3;
	s28 =	sand.u32 $0x7C, s31;
	s31 =	sshrl.u32 s24, $0xA;
	v15, _, _ =	vpop (xrf2);
	(xrf2) =	vadd.scan.msk.f32 $0xffff, v10  }
0x85: {  	v13 =	vld.idx.msk [tilespmem:v6+s11+$0x0], $0xffff;
	v16 =	vor.u32 s20, v3;
	s24 =	sshrl.u32 s24, $0x8;
	s22 =	sadd.s32 $0x38, s23;
	s23 =	sadd.s32 $0x68, s28  }
0x86: {  	v21 =	vld.idx.msk [tilespmem:v8+s11+$0x0], $0xffff;
	s29 =	sand.u32 $0x7C, s29;
	s20 =	smul.u32 $0xD, s31;
	s22 =	sand.u32 $0xF8, s22;
	v19 =	vor.u32 s23, v4  }
0x87: {  	s25 =	ssub.s32 $0x0, s25;
	s31 =	sand.u32 $0x7C, s24;
	s28 =	sand.u32 $0x7C, s26;
	v23 =	vld.idx.msk [tilespmem:v9+s11+$0x0], $0xffff;
	v22 =	vor.u32 s22, v3  }
0x88: {  	v14 =	vld.idx.msk [tilespmem:v11+s11+$0x0], $0xffff;
	s24 =	sadd.s32 $0x68, s29;
	s23 =	sadd.s32 $0x68, s28;
	s20 =	ssub.s32 $0x4, s20  }
0x89: {  	v5 =	vimm.f32 $0.0e+00;
	s25 =	sshll.u32 s25, $0x3;
	v9 =	vld [tilespmem:s18+$0xFFFFFFE0];
	v6 =	vor.u32 s24, v4;
	s22 =	sadd.s32 $0x68, s31;
	v8 =	vor.u32 s23, v4;
	s20 =	sshll.u32 s20, $0x3  }
0x8a: {  	s29 =	sadd.s32 $0x28, s25;
	v17 =	vld.idx.msk [tilespmem:v16+s11+$0x0], $0xffff;
	v11 =	vor.u32 s22, v4;
	v16 =	vsel vm1, $0x0, v13;
	v24, _, _ =	vpop (xrf2);
	(xrf2) =	vadd.scan.msk.f32 $0xffff, v12;
	s20 =	sand.u32 $0xF8, s20;
	v10 =	vnsel vm0, $0x0, v18  }
0x8b: {  	s31 =	sshrl.u32 s30, $0xA;
	s22 =	sand.u32 $0xF8, s29;
	v21 =	vsel vm1, $0x0, v21;
	v12 =	vor.u32 s20, v3;
	v13 =	vld.idx.msk [tilespmem:v19+s11+$0x0], $0xffff;
	v18 =	vadd.f32 v16, v10  }
0x8c: {  	s24 =	sadd.s32 $0x229, s21;
	s23 =	smul.u32 $0xD, s31;
	(xrf2) =	vadd.scan.msk.f32 $0xffff, v20;
	s20 =	simm.s32 $0x4;
	v19 =	vbroadcast v24, $0xF;
	v10 =	vor.u32 s22, v3;
	v20 =	vnsel vm0, $0x0, v23;
	v16 =	vld.idx.msk [tilespmem:v22+s11+$0x0], $0xffff  }
.LBB2_10:
0x8d: {  	s21 =	smul.u32 $0x4F, s20;
	v22 =	vld [tilespmem:s18+$0x0];
	s25 =	sshrl.u32 s24, $0xA;
	s18 =	sadd.s32 $0x40, s18  }
0x8e: {  	v18 =	vmul.f32 v18, v19;
	v19 =	vadd.f32 v21, v20;
	v15 =	vbroadcast v15, $0xF;
	v20, _, _ =	vpop (xrf2);
	s22 =	smov.u32 s20;
	s20 =	sadd.s32 $0x4, s20;
	s24 =	sshrl.u32 s24, $0x8  }
0x8f: {  	v17 =	vnsel vm0, $0x0, v17;
	v14 =	vsel vm1, $0x0, v14;
	s26 =	ssub.s32 s19, s23;
	s25 =	smul.u32 $0xD, s25;
	v20 =	vbroadcast v20, $0xF;
	s24 =	sand.u32 $0x7C, s24  }
0x90: {  	v14 =	vadd.f32 v14, v17;
	s28 =	sadd.s32 $0x18B, s21;
	s23 =	sadd.s32 $0x1DA, s21;
	v21 =	vld [tilespmem:s18+$0x10];
	s26 =	sshll.u32 s26, $0x3;
	(xrf2) =	vadd.scan.msk.f32 $0xffff, v9;
	v5 =	vadd.f32 v18, v5;
	v15 =	vmul.f32 v19, v15  }
0x91: {  	v13 =	vsel vm1, $0x0, v13;
	v17 =	vbroadcast v7, $0xF;
	p0 =	slt.u32 s20, $0x30;
	v16 =	vnsel vm0, $0x0, v16;
	v23 =	vld [tilespmem:s18+$0xFFFFFFF0];
	s26 =	sadd.s32 $0x30, s26;
	s19 =	ssub.s32 s19, s25  }
0x92: {  	s24 =	sadd.s32 $0x68, s24;
	v14 =	vmul.f32 v14, v20;
	v13 =	vadd.f32 v13, v16;
	v9 =	vld [tilespmem:s18+$0xFFFFFFE0];
	s25 =	sand.u32 $0xF8, s26;
	s19 =	sshll.u32 s19, $0x3;
	v5 =	vadd.f32 v15, v5  }
0x93: {  	s29 =	sshrl.u32 s23, $0x8;
	s26 =	sadd.s32 $0x13C, s21;
	v16 =	vld.idx.msk [tilespmem:v11+s11+$0x0], $0xffff;
	v11 =	vor.u32 s25, v3;
	s19 =	sadd.s32 $0x38, s19;
	(xrf2) =	vadd.scan.msk.f32 $0xffff, v22  }
0x94: {  	v18 =	vor.u32 s24, v4;
	s25 =	sshrl.u32 s28, $0xA;
	v13 =	vmul.f32 v13, v17;
	s28 =	sshrl.u32 s28, $0x8;
	v12 =	vld.idx.msk [tilespmem:v12+s11+$0x0], $0xffff;
	s19 =	sand.u32 $0xF8, s19;
	v7, _, _ =	vpop (xrf2);
	v5 =	vadd.f32 v14, v5  }
0x95: {  	s24 =	sshrl.u32 s26, $0xA;
	s25 =	smul.u32 $0xD, s25;
	s28 =	sand.u32 $0x7C, s28;
	v22 =	vld.idx.msk [tilespmem:v8+s11+$0x0], $0xffff;
	v19 =	vor.u32 s19, v3  }
0x96: {  	s19 =	smul.u32 $0xD, s24;
	s24 =	sshrl.u32 s26, $0x8;
	s26 =	sand.u32 $0x7C, s29;
	v20 =	vld.idx.msk [tilespmem:v10+s11+$0x0], $0xffff;
	v5 =	vadd.f32 v13, v5  }
0x97: {  	s28 =	sadd.s32 $0x68, s28;
	s24 =	sand.u32 $0x7C, s24;
	s26 =	sadd.s32 $0x68, s26;
	v14 =	vld.idx.msk [tilespmem:v6+s11+$0x0], $0xffff;
	v15, _, _ =	vpop (xrf2)  }
.Ltmp5:
0x98: {  	s25 =	ssub.s32 s22, s25;
	s19 =	ssub.s32 s20, s19;
	v17 =	vld.idx.msk [tilespmem:v11+s11+$0x0], $0xffff;
	(pc) =	sbr.rel @p0 .LBB2_10-.Ltmp5, $4  }
0x99: {  	v8 =	vor.u32 s28, v4;
	s24 =	sadd.s32 $0x68, s24;
	s25 =	sshll.u32 s25, $0x3;
	v6 =	vor.u32 s26, v4;
	s19 =	sshll.u32 s19, $0x3;
	(xrf2) =	vadd.scan.msk.f32 $0xffff, v21;
	v13 =	vld.idx.msk [tilespmem:v18+s11+$0x0], $0xffff  }
0x9a: {  	v11 =	vor.u32 s24, v4;
	s24 =	sadd.s32 $0x28, s25;
	s19 =	sand.u32 $0xF8, s19;
	v10 =	vnsel vm0, $0x0, v12;
	v18 =	vsel vm1, $0x0, v16;
	v16 =	vld.idx.msk [tilespmem:v19+s11+$0x0], $0xffff;
	v19, _, _ =	vpop (xrf2)  }
0x9b: {  	s23 =	sshrl.u32 s23, $0xA;
	s24 =	sand.u32 $0xF8, s24;
	v12 =	vor.u32 s19, v3;
	v18 =	vadd.f32 v18, v10;
	s19 =	smov.u32 s22;
	v19 =	vbroadcast v19, $0xF  }
0x9c: {  	s23 =	smul.u32 $0xD, s23;
	v10 =	vor.u32 s24, v3;
	s24 =	sadd.s32 $0x229, s21;
	v21 =	vsel vm1, $0x0, v22;
	v20 =	vnsel vm0, $0x0, v20;
	(xrf2) =	vadd.scan.msk.f32 $0xffff, v23  }
0x9d: {  	v22 =	vld [tilespmem:s18+$0x0];
	s30 =	sshrl.u32 s24, $0xA  }
0x9e: {  	(xrf2) =	vadd.scan.msk.f32 $0xffff, v9;
	s20 =	ssub.s32 s19, s23;
	s18 =	smul.u32 $0xD, s30  }
0x9f: {  	v46 =	vmul.f32 v18, v19;
	s20 =	sshll.u32 s20, $0x3  }
0xa0: {  	v47 =	vadd.f32 v21, v20;
	s31 =	sshrl.u32 s24, $0x8;
	v48, _, _ =	vpop (xrf2);
	v17 =	vnsel vm0, $0x0, v17;
	v14 =	vsel vm1, $0x0, v14;
	s20 =	sadd.s32 $0x30, s20;
	s18 =	ssub.s32 s19, s18  }
0xa1: {  	v15 =	vbroadcast v15, $0xF;
	v49 =	vld.idx.msk [tilespmem:v11+s11+$0x0], $0xffff;
	v19 =	vbroadcast v48, $0xF;
	v14 =	vadd.f32 v14, v17;
	s19 =	sand.u32 $0x7C, s31;
	s20 =	sand.u32 $0xF8, s20;
	s18 =	sshll.u32 s18, $0x3  }
0xa2: {  	v12 =	vld.idx.msk [tilespmem:v12+s11+$0x0], $0xffff;
	v13 =	vsel vm1, $0x0, v13;
	v5 =	vadd.f32 v46, v5;
	s19 =	sadd.s32 $0x68, s19;
	(xrf2) =	vadd.scan.msk.f32 $0xffff, v22;
	v50 =	vor.u32 s20, v3;
	s18 =	sadd.s32 $0x38, s18  }
0xa3: {  	v8 =	vld.idx.msk [tilespmem:v8+s11+$0x0], $0xffff;
	v15 =	vmul.f32 v47, v15;
	v16 =	vnsel vm0, $0x0, v16;
	v51 =	vor.u32 s19, v4;
	s18 =	sand.u32 $0xF8, s18  }
0xa4: {  	v10 =	vld.idx.msk [tilespmem:v10+s11+$0x0], $0xffff;
	v7 =	vbroadcast v7, $0xF;
	v13 =	vadd.f32 v13, v16;
	v52 =	vor.u32 s18, v3  }
0xa5: {  	v14 =	vmul.f32 v14, v19;
	v5 =	vadd.f32 v15, v5  }
0xa6: {  	v6 =	vld.idx.msk [tilespmem:v6+s11+$0x0], $0xffff;
	v7 =	vmul.f32 v13, v7;
	v53, _, _ =	vpop (xrf2)  }
0xa7: {  	v12 =	vnsel vm0, $0x0, v12;
	v9 =	vsel vm1, $0x0, v49;
	v5 =	vadd.f32 v14, v5;
	v54, _, _ =	vpop (xrf2);
	v11 =	vld.idx.msk [tilespmem:v50+s11+$0x0], $0xffff  }
0xa8: {  	v8 =	vsel vm1, $0x0, v8;
	v9 =	vadd.f32 v9, v12;
	v55 =	vld.idx.msk [tilespmem:v51+s11+$0x0], $0xffff;
	v56, _, _ =	vpop (xrf2)  }
0xa9: {  	v5 =	vadd.f32 v7, v5;
	v7 =	vnsel vm0, $0x0, v10;
	v58 =	vbroadcast v56, $0xF;
	v57 =	vld.idx.msk [tilespmem:v52+s11+$0x0], $0xffff  }
0xaa: {  	v7 =	vadd.f32 v8, v7;
	v59 =	vbroadcast v54, $0xF  }
0xab: {  	v9 =	vmul.f32 v9, v58  }
0xac: {  	v6 =	vsel vm1, $0x0, v6;
	v7 =	vmul.f32 v7, v59;
	v60, _, _ =	vpop (xrf2);
	v11 =	vnsel vm0, $0x0, v11  }
0xad: {  	v5 =	vadd.f32 v9, v5;
	v10 =	vbroadcast v60, $0xF;
	v6 =	vadd.f32 v6, v11  }
0xae: {  	v63 =	vbroadcast v53, $0xF;
	v62 =	vsel vm1, $0x0, v55;
	v61 =	vnsel vm0, $0x0, v57  }
0xaf: {  	v5 =	vadd.f32 v7, v5;
	v6 =	vmul.f32 v6, v10;
	v7 =	vadd.f32 v62, v61;
	_ =	sdelay $0x1  }
0xb0: {  	v5 =	vadd.f32 v6, v5;
	v6 =	vmul.f32 v7, v63;
	_ =	sdelay $0x1  }
0xb1: {  	v5 =	vadd.f32 v6, v5;
	_ =	sdelay $0x1  }
0xb2: {  	s17 =	sadd.s32 $0x1, s17;
	v5 =	vmul.f32 $3.051757740e-07, v5  }
0xb3: {  	p0 =	sne.s32 s17, s9  }
.Ltmp6:
0xb4: {  	[tilespmem:$0xCC00] =	vst v5;
	(pc) =	sbr.rel @p0 .LBB2_1-.Ltmp6, $4  }
0xb5: {  	[hbm4b:s8+s3] =	stream.linear.scatter [tilespmem:s16], [sflag:$0x3], $0x80, $0x38;
	[tilespmem:$0xCC80] =	vst v63  }
0xb6: {  	_ =	swait.ge [sflag:s12], $0x80  }
0xb7: {  	[sflag:s12] =	ssyncset.done $0x0  }
0xb8: {  	[sflag:s12] =	ssyncadd.s32 $0xFFFFFF80  }
0xb9: {  	_ =	sfence.sel $0x180000  }
0xba: {  	[bflag:$0x0] =	sbarrier.arrive $0xFFFF  }
0xbb: {  	p0 =	sne.s32 s0, $0x0;
	_ =	strace $0x90000047  }
0xbc: {  	s0 =	sadd.s32 @!p0 $0x100000, s1;
	[bflag:$0x2] =	sbarrier.arrive $0xFFFF  }
0xbd: {  	[sflag:s0] =	ssyncadd.tile.s32 @!p0 $0x1;
	_ =	shalt  }
.Lfunc_end2:
_tile_overlayer_lowered:
.L_overlay_start_2:
0xbe: {  	(tag) =	ssettag $0x2  }
0xbf: {  	s0 =	rddreg [dreg:$0x0];
	s2 =	stileid.u32  }
0xc0: {  	s1 =	rddreg [dreg:$0x1];
	p0 =	sne.s32 s2, $0x0  }
0xc1: {  	s3 =	rddreg [dreg:$0x2];
	[bflag:$0x3] =	sbarrier.arrive $0xFFFF;
	s2 =	simm.s32 @!p0 $0x1C03  }
0xc2: {  	[timem:s3], [sflag:s2] =	dma.local @!p0 [hbm:s0], s1  }
0xc3: {  	s0 =	simm.s32 @!p0 $0x3  }
0xc4: {  	_ =	swait.ge @!p0 [sflag:s0], s1  }
0xc5: {  	s1 =	ssub.s32 @!p0 $0x0, s1;
	[sflag:s0] =	ssyncset.done @!p0 $0x0  }
0xc6: {  	[sflag:s0] =	ssyncadd.s32 @!p0 s1  }
0xc7: {  	[bflag:$0x3] =	sbarrier.arrive $0xFFFF  }
0xc8: {  	_ =	shalt  }

</sc_bundles>
